<compile_context>
chip_gen: v7x
topology: tpu7x:2x2x1
jax: 0.10.2.dev20260603
libtpu: 0.0.44.dev20260713+nightly
codegen_flags: <defaults>
</compile_context>

<pallas_src>
import functools

import numpy as np
import jax
import jax.numpy as jnp
from jax import lax
from jax.experimental import pallas as pl
from jax.experimental.pallas import tpu as pltpu
from jax.experimental.pallas import tpu_sc as plsc

B = 64
K = 100
H = 512.0
W = 512.0
NC = 2
NS = 16
NW = NC * NS
SPW = B // NW
ROW = 512
NCHUNK = 7
OUTROW = 256
TAIL_SCALE, TAIL_UTY, TAIL_UTX, TAIL_SRC, TAIL_HF = 4, 5, 6, 7, 8


def _rotl(x, d):
    return ((x << np.uint32(d)) | (x >> np.uint32(32 - d))).astype(np.uint32)


def _threefry2x32(k0, k1, x0, x1):
    x0 = x0.astype(np.uint32).copy()
    x1 = x1.astype(np.uint32).copy()
    ks = [np.uint32(k0), np.uint32(k1),
          np.uint32(k0) ^ np.uint32(k1) ^ np.uint32(0x1BD11BDA)]
    rot = [[13, 15, 26, 6], [17, 29, 16, 24]]
    x0 = (x0 + ks[0]).astype(np.uint32)
    x1 = (x1 + ks[1]).astype(np.uint32)
    for i in range(5):
        for r in rot[i % 2]:
            x0 = (x0 + x1).astype(np.uint32)
            x1 = _rotl(x1, r)
            x1 = (x1 ^ x0).astype(np.uint32)
        x0 = (x0 + ks[(i + 1) % 3]).astype(np.uint32)
        x1 = (x1 + ks[(i + 2) % 3] + np.uint32(i + 1)).astype(np.uint32)
    return x0, x1


def _splitn(k, n):
    c = np.arange(n, dtype=np.uint32)
    a, b = _threefry2x32(k[0], k[1], np.zeros(n, np.uint32), c)
    return np.stack([a, b], -1)


def _bits(k, n):
    c = np.arange(n, dtype=np.uint32)
    a, b = _threefry2x32(k[0], k[1], np.zeros(n, np.uint32), c)
    return (a ^ b).astype(np.uint32)


def _uniform01(bits):
    m = (bits >> np.uint32(9)) | np.uint32(0x3F800000)
    return np.maximum(m.view(np.float32) - np.float32(1.0), np.float32(0.0))


def _rng_constants():
    base = np.array([0, 42], dtype=np.uint32)
    ks = _splitn(base, 5)
    k1, k2 = _splitn(ks[0], 2)
    hb, lb = _bits(k1, B), _bits(k2, B)
    span = np.uint32(B - 1)
    mult = np.uint32((2**32) % (B - 1))
    r = (((hb % span) * mult + (lb % span)) % span).astype(np.int32)
    src = (r + (r >= np.arange(B, dtype=np.int32)).astype(np.int32)).astype(np.int32)
    scale = _uniform01(_bits(ks[1], B)) * np.float32(1.5) + np.float32(0.5)
    u_ty = _uniform01(_bits(ks[2], B))
    u_tx = _uniform01(_bits(ks[3], B))
    hflip = _uniform01(_bits(ks[4], B)) < np.float32(0.5)
    return src, scale, u_ty, u_tx, hflip


_SRC, _SCALE, _UTY, _UTX, _HFLIP = _rng_constants()

_TAIL = np.stack(
    [_SCALE, _UTY, _UTX, _SRC.astype(np.float32),
     _HFLIP.astype(np.float32)], axis=1).astype(np.float32)


_mesh = plsc.VectorSubcoreMesh(core_axis_name="c", subcore_axis_name="s")


@functools.partial(
    pl.kernel,
    mesh=_mesh,
    out_type=jax.ShapeDtypeStruct((B, OUTROW), jnp.float32),
    scratch_types=[
        pltpu.VMEM((16,), jnp.int32),
        pltpu.VMEM((SPW, ROW), jnp.float32),
        pltpu.VMEM((SPW, ROW), jnp.float32),
        pltpu.VMEM((SPW, OUTROW), jnp.float32),
        pltpu.SemaphoreType.DMA,
    ],
    compiler_params=pltpu.CompilerParams(
        needs_layout_passes=False,
        skip_device_barrier=True,
        disable_semaphore_checks=True,
    ),
)
def _sampler_kernel(data_hbm, out_hbm,
                    idx_v, own_v, rows_v, out_v, sem):
    wid = lax.axis_index("s") * NC + lax.axis_index("c")
    lane = lax.iota(jnp.int32, 16)
    pltpu.sync_copy(data_hbm.at[pl.ds(SPW * wid, SPW)], own_v)
    tail0 = own_v[0, pl.ds(ROW - 16, 16)]
    tail1 = own_v[1, pl.ds(ROW - 16, 16)]
    i0 = tail0[TAIL_SRC].astype(jnp.int32)
    i1 = tail1[TAIL_SRC].astype(jnp.int32)
    idx_v[...] = jnp.where(lane < 1, i0, i1)
    pltpu.async_copy(
        data_hbm.at[idx_v.at[pl.ds(0, SPW)]], rows_v, sem).wait()

    def sample_body(t, carry):
        tail = own_v[t, pl.ds(ROW - 16, 16)]
        scale_s = tail[TAIL_SCALE]
        tvec = jnp.zeros((16,), jnp.int32) + t

        def chunk_body(c, mx):
            mxw, mxh = mx
            pos = lane * 4 + c * 64
            x1 = plsc.load_gather(rows_v, [tvec, pos])
            y1 = plsc.load_gather(rows_v, [tvec, pos + 1])
            x2 = plsc.load_gather(rows_v, [tvec, pos + 2])
            y2 = plsc.load_gather(rows_v, [tvec, pos + 3])
            vld = rows_v[t, pl.ds(400 + c * 16, 16)]
            sw = (x2 - x1) * scale_s
            sh = (y2 - y1) * scale_s
            live = (c * 16 + lane) < K
            fits = (sh <= H) & (sw <= W)
            out_v[t, pl.ds(c * 16, 16)] = jnp.where(
                fits & (vld > 0.5), 1.0, 0.0).astype(jnp.float32)
            return (jnp.maximum(mxw, jnp.where(live, sw, 0.0)),
                    jnp.maximum(mxh, jnp.where(live, sh, 0.0)))

        z = jnp.zeros((16,), jnp.float32)
        mxw, mxh = lax.fori_loop(0, NCHUNK, chunk_body, (z, z))
        m_h = plsc.cummax(mxh)[15]
        m_w = plsc.cummax(mxw)[15]
        ty_s = jnp.maximum(jnp.float32(H) - m_h, 0.0) * tail[TAIL_UTY]
        tx_s = jnp.maximum(jnp.float32(W) - m_w, 0.0) * tail[TAIL_UTX]
        sval = jnp.where(lane == 0, ty_s, jnp.where(lane == 1, tx_s, 0.0))
        out_v[t, pl.ds(128, 16)] = sval
        return carry

    lax.fori_loop(0, SPW, sample_body, 0)
    pltpu.sync_copy(out_v, out_hbm.at[pl.ds(SPW * wid, SPW)])


def kernel(images, boxes, instance_valid):
    del images
    data = jnp.pad(
        jnp.concatenate(
            [boxes.reshape(B, 4 * K), instance_valid.astype(jnp.float32),
             jnp.asarray(_TAIL)],
            axis=1),
        ((0, 0), (0, ROW - 5 * K - 5)))

    out = _sampler_kernel(data)

    source_idx = jnp.asarray(_SRC, dtype=jnp.int32)
    translate = out[:, 128:130]
    scale = jnp.asarray(_SCALE, dtype=jnp.float32)
    hflip = jnp.asarray(_HFLIP)
    paste_valid = out[:, :K].astype(jnp.bool_)
    return (source_idx, translate, scale, hflip, paste_valid)

# --- scband reference (transcript-rebuilt; emitter-appended) ---
"""Pipeline reference for scband-batched-placement-sampler-1657857376677 (READ-ONLY COPY).

The authoritative reference and input builder live on the scoring server;
editing this copy changes nothing except your own understanding.
"""

import jax, jax.numpy as jnp
import numpy as np


def setup_inputs(seed: int = 0) -> dict:
    key = jax.random.key(seed)
    k1, k2, k3, k4 = jax.random.split(key, 4)
    B, K, C, H, W = 64, 100, 3, 512, 512
    images = jax.random.normal(k1, (B, C, H, W), dtype=jnp.float32)
    # boxes in (x1, y1, x2, y2) pixel coords with x2 >= x1, y2 >= y1
    xs = jax.random.uniform(k2, (B, K, 2), dtype=jnp.float32, minval=0.0, maxval=float(W))
    ys = jax.random.uniform(k3, (B, K, 2), dtype=jnp.float32, minval=0.0, maxval=float(H))
    x1 = jnp.min(xs, axis=-1); x2 = jnp.max(xs, axis=-1)
    y1 = jnp.min(ys, axis=-1); y2 = jnp.max(ys, axis=-1)
    boxes = jnp.stack([x1, y1, x2, y2], axis=-1)
    instance_valid = jax.random.bernoulli(k4, 0.9, (B, K))
    return {"images": images, "boxes": boxes, "instance_valid": instance_valid}


def reference(images, boxes, instance_valid):
    B, K = boxes.shape[0], boxes.shape[1]
    H, W = images.shape[-2], images.shape[-1]
    smin, smax = 0.5, 2.0
    hflip_probability = 0.5
    key = jax.random.key(42)
    k_src, k_scale, k_ty, k_tx, k_flip = jax.random.split(key, 5)
    # multinomial over weights = 1 - eye(B): uniform over {0..B-1} \ {i}
    r = jax.random.randint(k_src, (B,), 0, B - 1)
    source_idx = (r + (r >= jnp.arange(B)).astype(r.dtype)).astype(jnp.int64)
    source_boxes = jnp.take(boxes, source_idx, axis=0)
    source_valid = jnp.take(instance_valid, source_idx, axis=0)
    scale = jax.random.uniform(k_scale, (B,), dtype=jnp.float32) * (smax - smin) + smin
    box_wh = source_boxes[..., 2:] - source_boxes[..., :2]
    scaled_w_per_slot = box_wh[..., 0] * scale[:, None]
    scaled_h_per_slot = box_wh[..., 1] * scale[:, None]
    max_scaled_h = jnp.max(scaled_h_per_slot, axis=-1)
    max_scaled_w = jnp.max(scaled_w_per_slot, axis=-1)
    max_ty = jnp.maximum(float(H) - max_scaled_h, 0.0)
    max_tx = jnp.maximum(float(W) - max_scaled_w, 0.0)
    ty = jax.random.uniform(k_ty, (B,), dtype=jnp.float32) * max_ty
    tx = jax.random.uniform(k_tx, (B,), dtype=jnp.float32) * max_tx
    translate = jnp.stack([ty, tx], axis=-1)
    hflip = jax.random.uniform(k_flip, (B,), dtype=jnp.float32) < hflip_probability
    fits = (scaled_h_per_slot <= float(H)) & (scaled_w_per_slot <= float(W))
    paste_valid = source_valid & fits
    return (source_idx, translate, scale, hflip, paste_valid)

if __name__ == "__main__":
    import jax
    _d = setup_inputs()
    print(jax.jit(kernel)(*tuple(_d.values())))

</pallas_src>

<mosaic_0001>
#map = affine_map<(d0, d1) -> (0, 0)>
module attributes {stable_mosaic.version = 14 : i64} {
  func.func @_sampler_kernel(%arg0: i32, %arg1: i32, %arg2: memref<64x512xf32, #tpu.memory_space<hbm>>, %arg3: memref<64x256xf32, #tpu.memory_space<hbm>>, %arg4: memref<16xi32, #tpu.memory_space<vmem>>, %arg5: memref<2x512xf32, #tpu.memory_space<vmem>>, %arg6: memref<2x512xf32, #tpu.memory_space<vmem>>, %arg7: memref<2x256xf32, #tpu.memory_space<vmem>>, %arg8: memref<!tpu.dma_semaphore, #tpu.memory_space<semaphore_mem>>) attributes {dimension_semantics = [#tpu.dimension_semantics<core_parallel>, #tpu.dimension_semantics<subcore_parallel>], iteration_bounds = array<i64: 2, 16>, scalar_prefetch = 0 : i64, scratch_operands = 5 : i64, tpu.core_type = #tpu.core_type<sc_vector_subcore>, window_params = [{transform_indices = #map}, {transform_indices = #map}]} {
    %mul3A = arith.constant 2 : i32
    %mul3A_0 = arith.muli %arg1, %mul3A : i32
    %add3A = arith.addi %mul3A_0, %arg0 : i32
    %iota3A = tpu.iota {dimensions = array<i32: 0>} : vector<16xi32>
    %mul3A_1 = arith.constant 2 : i32
    %mul3A_2 = arith.muli %mul3A_1, %add3A : i32
    "tpu.region"() ({
      %run_scoped3A = tpu.sem_alloc : memref<!tpu.dma_semaphore, #tpu.memory_space<semaphore_mem>>
      %dma_start3A_32 = arith.constant 0 : i32
      %dma_start3A_33 = tpu.memref_slice %arg2[%mul3A_2, %dma_start3A_32] : memref<64x512xf32, #tpu.memory_space<hbm>> -> memref<2x512xf32, #tpu.memory_space<hbm>>
      %dma_start3A_34 = arith.constant 0 : i32
      %dma_start3A_35 = tpu.memref_slice %arg2[%mul3A_2, %dma_start3A_34] : memref<64x512xf32, #tpu.memory_space<hbm>> -> memref<2x512xf32, #tpu.memory_space<hbm>>
      tpu.enqueue_dma source(%dma_start3A_35 : memref<2x512xf32, #tpu.memory_space<hbm>>) target(%arg5 : memref<2x512xf32, #tpu.memory_space<vmem>>) target_semaphore(%run_scoped3A : memref<!tpu.dma_semaphore, #tpu.memory_space<semaphore_mem>>)
      %dma_wait3A_36 = arith.constant 0 : i32
      %dma_wait3A_37 = tpu.memref_slice %arg2[%mul3A_2, %dma_wait3A_36] : memref<64x512xf32, #tpu.memory_space<hbm>> -> memref<2x512xf32, #tpu.memory_space<hbm>>
      %dma_wait3A_38 = arith.constant 0 : i32
      %dma_wait3A_39 = tpu.memref_slice %arg2[%mul3A_2, %dma_wait3A_38] : memref<64x512xf32, #tpu.memory_space<hbm>> -> memref<2x512xf32, #tpu.memory_space<hbm>>
      tpu.wait_dma2 semaphore(%run_scoped3A : memref<!tpu.dma_semaphore, #tpu.memory_space<semaphore_mem>>) src(%dma_wait3A_39 : memref<2x512xf32, #tpu.memory_space<hbm>>) dst(%arg5 : memref<2x512xf32, #tpu.memory_space<vmem>>)
      tpu.yield
    }) : () -> ()
    %get3A = arith.constant 0 : i32
    %get3A_3 = arith.index_cast %get3A : i32 to index
    %get3A_4 = arith.constant 496 : index
    %get3A_5 = tpu.vector_load %arg5[%get3A_3, %get3A_4] {strides = array<i32>} : memref<2x512xf32, #tpu.memory_space<vmem>>, vector<16xf32>,
    %get3A_6 = arith.constant 1 : i32
    %get3A_7 = arith.index_cast %get3A_6 : i32 to index
    %get3A_8 = arith.constant 496 : index
    %get3A_9 = tpu.vector_load %arg5[%get3A_7, %get3A_8] {strides = array<i32>} : memref<2x512xf32, #tpu.memory_space<vmem>>, vector<16xf32>,
    %slice3A = vector.extract_strided_slice %get3A_5 {offsets = [7], sizes = [1], strides = [1]} : vector<16xf32> to vector<1xf32>
    %squeeze3A = vector.extract %slice3A[0] : f32 from vector<1xf32>
    %convert_element_type3A = arith.fptosi %squeeze3A : f32 to i32
    %slice3A_10 = vector.extract_strided_slice %get3A_9 {offsets = [7], sizes = [1], strides = [1]} : vector<16xf32> to vector<1xf32>
    %squeeze3A_11 = vector.extract %slice3A_10[0] : f32 from vector<1xf32>
    %convert_element_type3A_12 = arith.fptosi %squeeze3A_11 : f32 to i32
    %lt3A = arith.constant 1 : i32
    %lt3A_13 = vector.broadcast %lt3A : i32 to vector<16xi32>
    %lt3A_14 = arith.cmpi slt, %iota3A, %lt3A_13 : vector<16xi32>
    %broadcast_in_dim3A = vector.broadcast %convert_element_type3A : i32 to vector<16xi32>
    %broadcast_in_dim3A_15 = vector.broadcast %convert_element_type3A_12 : i32 to vector<16xi32>
    %select_n3A = arith.select %lt3A_14, %broadcast_in_dim3A, %broadcast_in_dim3A_15 : vector<16xi1>, vector<16xi32>
    %swap3A = arith.constant 0 : index
    %swap3A_16 = tpu.vector_load %arg4[%swap3A] {strides = array<i32>} : memref<16xi32, #tpu.memory_space<vmem>>, vector<16xi32>,
    tpu.vector_store %arg4[%swap3A], %select_n3A {strides = array<i32>} : memref<16xi32, #tpu.memory_space<vmem>>, vector<16xi32>,
    %dma_start3A = arith.constant 0 : i32
    %dma_start3A_17 = tpu.memref_slice %arg4[%dma_start3A] : memref<16xi32, #tpu.memory_space<vmem>> -> memref<2xi32, #tpu.memory_space<vmem>>
    %dma_start3A_18 = arith.constant 0 : i32
    %dma_start3A_19 = arith.constant 0 : i32
    %dma_start3A_20 = tpu.memref_slice %arg2[%dma_start3A_18, %dma_start3A_19] : memref<64x512xf32, #tpu.memory_space<hbm>> -> memref<64x512xf32, #tpu.memory_space<hbm>>
    tpu.enqueue_indirect_dma source(%dma_start3A_20 : memref<64x512xf32, #tpu.memory_space<hbm>>) target(%arg6 : memref<2x512xf32, #tpu.memory_space<vmem>>) offsets(%dma_start3A_17 : memref<2xi32, #tpu.memory_space<vmem>>) semaphore(%arg8 : memref<!tpu.dma_semaphore, #tpu.memory_space<semaphore_mem>>)
    %dma_wait3A = arith.constant 0 : i32
    %dma_wait3A_21 = tpu.memref_slice %arg4[%dma_wait3A] : memref<16xi32, #tpu.memory_space<vmem>> -> memref<2xi32, #tpu.memory_space<vmem>>
    %dma_wait3A_22 = arith.constant 0 : i32
    %dma_wait3A_23 = arith.constant 0 : i32
    %dma_wait3A_24 = tpu.memref_slice %arg2[%dma_wait3A_22, %dma_wait3A_23] : memref<64x512xf32, #tpu.memory_space<hbm>> -> memref<64x512xf32, #tpu.memory_space<hbm>>
    tpu.wait_indirect_dma semaphore(%arg8 : memref<!tpu.dma_semaphore, #tpu.memory_space<semaphore_mem>>) src(%dma_wait3A_24 : memref<64x512xf32, #tpu.memory_space<hbm>>) dst(%arg6 : memref<2x512xf32, #tpu.memory_space<vmem>>)
    %scan3A = arith.constant 0 : i32
    %scan3A_25 = arith.constant 0 : i32
    %scan3A_26 = arith.constant 2 : i32
    %scan3A_27 = arith.addi %scan3A_25, %scan3A_26 : i32
    %scan3A_28 = arith.constant 1 : i32
    scf.for %scan3A_32 = %scan3A_25 to %scan3A_27 step %scan3A_28  : i32 {
      %get3A_33 = arith.index_cast %scan3A_32 : i32 to index
      %get3A_34 = arith.constant 496 : index
      %get3A_35 = tpu.vector_load %arg5[%get3A_33, %get3A_34] {strides = array<i32>} : memref<2x512xf32, #tpu.memory_space<vmem>>, vector<16xf32>,
      %slice3A_36 = vector.extract_strided_slice %get3A_35 {offsets = [4], sizes = [1], strides = [1]} : vector<16xf32> to vector<1xf32>
      %squeeze3A_37 = vector.extract %slice3A_36[0] : f32 from vector<1xf32>
      %broadcast_in_dim3A_38 = arith.constant 0 : i32
      %broadcast_in_dim3A_39 = vector.broadcast %broadcast_in_dim3A_38 : i32 to vector<16xi32>
      %add3A_40 = vector.broadcast %scan3A_32 : i32 to vector<16xi32>
      %add3A_41 = arith.addi %broadcast_in_dim3A_39, %add3A_40 : vector<16xi32>
      %broadcast_in_dim3A_42 = arith.constant 0.000000e+00 : f32
      %broadcast_in_dim3A_43 = vector.broadcast %broadcast_in_dim3A_42 : f32 to vector<16xf32>
      %scan3A_44 = arith.constant 0 : i32
      %scan3A_45 = arith.constant 7 : i32
      %scan3A_46 = arith.addi %scan3A_44, %scan3A_45 : i32
      %scan3A_47 = arith.constant 1 : i32
      %scan3A_48:2 = scf.for %scan3A_84 = %scan3A_44 to %scan3A_46 step %scan3A_47 iter_args(%scan3A_85 = %broadcast_in_dim3A_43, %scan3A_86 = %broadcast_in_dim3A_43) -> (vector<16xf32>, vector<16xf32>)  : i32 {
        %mul3A_87 = arith.constant 4 : i32
        %mul3A_88 = vector.broadcast %mul3A_87 : i32 to vector<16xi32>
        %mul3A_89 = arith.muli %iota3A, %mul3A_88 : vector<16xi32>
        %mul3A_90 = arith.constant 64 : i32
        %mul3A_91 = arith.muli %scan3A_84, %mul3A_90 : i32
        %add3A_92 = vector.broadcast %mul3A_91 : i32 to vector<16xi32>
        %add3A_93 = arith.addi %mul3A_89, %add3A_92 : vector<16xi32>
        %gather3A = tpu.vector_load_idx %arg6[%add3A_41, %add3A_93] : memref<2x512xf32, #tpu.memory_space<vmem>>[vector<16xi32>, vector<16xi32>], vector<16xf32>,
        %add3A_94 = arith.constant 1 : i32
        %add3A_95 = vector.broadcast %add3A_94 : i32 to vector<16xi32>
        %add3A_96 = arith.addi %add3A_93, %add3A_95 : vector<16xi32>
        %gather3A_97 = tpu.vector_load_idx %arg6[%add3A_41, %add3A_96] : memref<2x512xf32, #tpu.memory_space<vmem>>[vector<16xi32>, vector<16xi32>], vector<16xf32>,
        %add3A_98 = arith.constant 2 : i32
        %add3A_99 = vector.broadcast %add3A_98 : i32 to vector<16xi32>
        %add3A_100 = arith.addi %add3A_93, %add3A_99 : vector<16xi32>
        %gather3A_101 = tpu.vector_load_idx %arg6[%add3A_41, %add3A_100] : memref<2x512xf32, #tpu.memory_space<vmem>>[vector<16xi32>, vector<16xi32>], vector<16xf32>,
        %add3A_102 = arith.constant 3 : i32
        %add3A_103 = vector.broadcast %add3A_102 : i32 to vector<16xi32>
        %add3A_104 = arith.addi %add3A_93, %add3A_103 : vector<16xi32>
        %gather3A_105 = tpu.vector_load_idx %arg6[%add3A_41, %add3A_104] : memref<2x512xf32, #tpu.memory_space<vmem>>[vector<16xi32>, vector<16xi32>], vector<16xf32>,
        %mul3A_106 = arith.constant 16 : i32
        %mul3A_107 = arith.muli %scan3A_84, %mul3A_106 : i32
        %add3A_108 = arith.constant 400 : i32
        %add3A_109 = arith.addi %add3A_108, %mul3A_107 : i32
        %get3A_110 = arith.index_cast %scan3A_32 : i32 to index
        %get3A_111 = arith.index_cast %add3A_109 : i32 to index
        %get3A_112 = tpu.vector_load %arg6[%get3A_110, %get3A_111] {strides = array<i32>} : memref<2x512xf32, #tpu.memory_space<vmem>>, vector<16xf32>,
        %sub3A_113 = arith.subf %gather3A_101, %gather3A : vector<16xf32>
        %mul3A_114 = vector.broadcast %squeeze3A_37 : f32 to vector<16xf32>
        %mul3A_115 = arith.mulf %sub3A_113, %mul3A_114 : vector<16xf32>
        %sub3A_116 = arith.subf %gather3A_105, %gather3A_97 : vector<16xf32>
        %mul3A_117 = vector.broadcast %squeeze3A_37 : f32 to vector<16xf32>
        %mul3A_118 = arith.mulf %sub3A_116, %mul3A_117 : vector<16xf32>
        %mul3A_119 = arith.constant 16 : i32
        %mul3A_120 = arith.muli %scan3A_84, %mul3A_119 : i32
        %add3A_121 = vector.broadcast %mul3A_120 : i32 to vector<16xi32>
        %add3A_122 = arith.addi %add3A_121, %iota3A : vector<16xi32>
        %lt3A_123 = arith.constant 100 : i32
        %lt3A_124 = vector.broadcast %lt3A_123 : i32 to vector<16xi32>
        %lt3A_125 = arith.cmpi slt, %add3A_122, %lt3A_124 : vector<16xi32>
        %le3A = arith.constant 5.120000e+02 : f32
        %le3A_126 = vector.broadcast %le3A : f32 to vector<16xf32>
        %le3A_127 = arith.cmpf ole, %mul3A_118, %le3A_126 : vector<16xf32>
        %le3A_128 = arith.constant 5.120000e+02 : f32
        %le3A_129 = vector.broadcast %le3A_128 : f32 to vector<16xf32>
        %le3A_130 = arith.cmpf ole, %mul3A_115, %le3A_129 : vector<16xf32>
        %and3A = arith.andi %le3A_127, %le3A_130 : vector<16xi1>
        %gt3A = arith.constant 5.000000e-01 : f32
        %gt3A_131 = vector.broadcast %gt3A : f32 to vector<16xf32>
        %gt3A_132 = arith.cmpf ogt, %get3A_112, %gt3A_131 : vector<16xf32>
        %and3A_133 = arith.andi %and3A, %gt3A_132 : vector<16xi1>
        %jit3A_134 = arith.constant 1.000000e+00 : f32
        %jit3A_135 = arith.constant 0.000000e+00 : f32
        %broadcast_in_dim3A_136 = vector.broadcast %jit3A_134 : f32 to vector<16xf32>
        %broadcast_in_dim3A_137 = vector.broadcast %jit3A_135 : f32 to vector<16xf32>
        %select_n3A_138 = arith.select %and3A_133, %broadcast_in_dim3A_136, %broadcast_in_dim3A_137 : vector<16xi1>, vector<16xf32>
        %mul3A_139 = arith.constant 16 : i32
        %mul3A_140 = arith.muli %scan3A_84, %mul3A_139 : i32
        %swap3A_141 = arith.index_cast %scan3A_32 : i32 to index
        %swap3A_142 = arith.index_cast %mul3A_140 : i32 to index
        %swap3A_143 = tpu.vector_load %arg7[%swap3A_141, %swap3A_142] {strides = array<i32>} : memref<2x256xf32, #tpu.memory_space<vmem>>, vector<16xf32>,
        tpu.vector_store %arg7[%swap3A_141, %swap3A_142], %select_n3A_138 {strides = array<i32>} : memref<2x256xf32, #tpu.memory_space<vmem>>, vector<16xf32>,
        %jit3A_144 = arith.constant 0.000000e+00 : f32
        %broadcast_in_dim3A_145 = vector.broadcast %jit3A_144 : f32 to vector<16xf32>
        %select_n3A_146 = arith.select %lt3A_125, %mul3A_115, %broadcast_in_dim3A_145 : vector<16xi1>, vector<16xf32>
        %max3A_147 = arith.maximumf %scan3A_85, %select_n3A_146 : vector<16xf32>
        %jit3A_148 = arith.constant 0.000000e+00 : f32
        %broadcast_in_dim3A_149 = vector.broadcast %jit3A_148 : f32 to vector<16xf32>
        %select_n3A_150 = arith.select %lt3A_125, %mul3A_118, %broadcast_in_dim3A_149 : vector<16xi1>, vector<16xf32>
        %max3A_151 = arith.maximumf %scan3A_86, %select_n3A_150 : vector<16xf32>
        scf.yield %max3A_147, %max3A_151 : vector<16xf32>, vector<16xf32>
      }
      %scan3A_49 = arith.constant 7 : i32
      %broadcast_in_dim3A_50 = arith.constant true
      %broadcast_in_dim3A_51 = vector.broadcast %broadcast_in_dim3A_50 : i1 to vector<16xi1>
      %masked_cummax3A = tpu.scan <max>, %scan3A_48#1 masked %broadcast_in_dim3A_51 : vector<16xf32>, vector<16xi1> -> vector<16xf32>
      %slice3A_52 = vector.extract_strided_slice %masked_cummax3A {offsets = [15], sizes = [1], strides = [1]} : vector<16xf32> to vector<1xf32>
      %squeeze3A_53 = vector.extract %slice3A_52[0] : f32 from vector<1xf32>
      %broadcast_in_dim3A_54 = arith.constant true
      %broadcast_in_dim3A_55 = vector.broadcast %broadcast_in_dim3A_54 : i1 to vector<16xi1>
      %masked_cummax3A_56 = tpu.scan <max>, %scan3A_48#0 masked %broadcast_in_dim3A_55 : vector<16xf32>, vector<16xi1> -> vector<16xf32>
      %slice3A_57 = vector.extract_strided_slice %masked_cummax3A_56 {offsets = [15], sizes = [1], strides = [1]} : vector<16xf32> to vector<1xf32>
      %squeeze3A_58 = vector.extract %slice3A_57[0] : f32 from vector<1xf32>
      %sub3A = arith.constant 5.120000e+02 : f32
      %sub3A_59 = arith.subf %sub3A, %squeeze3A_53 : f32
      %max3A = arith.constant 0.000000e+00 : f32
      %max3A_60 = arith.maximumf %sub3A_59, %max3A : f32
      %slice3A_61 = vector.extract_strided_slice %get3A_35 {offsets = [5], sizes = [1], strides = [1]} : vector<16xf32> to vector<1xf32>
      %squeeze3A_62 = vector.extract %slice3A_61[0] : f32 from vector<1xf32>
      %mul3A_63 = arith.mulf %max3A_60, %squeeze3A_62 : f32
      %sub3A_64 = arith.constant 5.120000e+02 : f32
      %sub3A_65 = arith.subf %sub3A_64, %squeeze3A_58 : f32
      %max3A_66 = arith.constant 0.000000e+00 : f32
      %max3A_67 = arith.maximumf %sub3A_65, %max3A_66 : f32
      %slice3A_68 = vector.extract_strided_slice %get3A_35 {offsets = [6], sizes = [1], strides = [1]} : vector<16xf32> to vector<1xf32>
      %squeeze3A_69 = vector.extract %slice3A_68[0] : f32 from vector<1xf32>
      %mul3A_70 = arith.mulf %max3A_67, %squeeze3A_69 : f32
      %eq3A = arith.constant 0 : i32
      %eq3A_71 = vector.broadcast %eq3A : i32 to vector<16xi32>
      %eq3A_72 = arith.cmpi eq, %iota3A, %eq3A_71 : vector<16xi32>
      %eq3A_73 = arith.constant 1 : i32
      %eq3A_74 = vector.broadcast %eq3A_73 : i32 to vector<16xi32>
      %eq3A_75 = arith.cmpi eq, %iota3A, %eq3A_74 : vector<16xi32>
      %jit3A = arith.constant 0.000000e+00 : f32
      %broadcast_in_dim3A_76 = vector.broadcast %mul3A_70 : f32 to vector<16xf32>
      %broadcast_in_dim3A_77 = vector.broadcast %jit3A : f32 to vector<16xf32>
      %select_n3A_78 = arith.select %eq3A_75, %broadcast_in_dim3A_76, %broadcast_in_dim3A_77 : vector<16xi1>, vector<16xf32>
      %broadcast_in_dim3A_79 = vector.broadcast %mul3A_63 : f32 to vector<16xf32>
      %select_n3A_80 = arith.select %eq3A_72, %broadcast_in_dim3A_79, %select_n3A_78 : vector<16xi1>, vector<16xf32>
      %swap3A_81 = arith.index_cast %scan3A_32 : i32 to index
      %swap3A_82 = arith.constant 128 : index
      %swap3A_83 = tpu.vector_load %arg7[%swap3A_81, %swap3A_82] {strides = array<i32>} : memref<2x256xf32, #tpu.memory_space<vmem>>, vector<16xf32>,
      tpu.vector_store %arg7[%swap3A_81, %swap3A_82], %select_n3A_80 {strides = array<i32>} : memref<2x256xf32, #tpu.memory_space<vmem>>, vector<16xf32>,
    }
    %scan3A_29 = arith.constant 2 : i32
    %mul3A_30 = arith.constant 2 : i32
    %mul3A_31 = arith.muli %mul3A_30, %add3A : i32
    "tpu.region"() ({
      %run_scoped3A = tpu.sem_alloc : memref<!tpu.dma_semaphore, #tpu.memory_space<semaphore_mem>>
      %dma_start3A_32 = arith.constant 0 : i32
      %dma_start3A_33 = tpu.memref_slice %arg3[%mul3A_31, %dma_start3A_32] : memref<64x256xf32, #tpu.memory_space<hbm>> -> memref<2x256xf32, #tpu.memory_space<hbm>>
      %dma_start3A_34 = arith.constant 0 : i32
      %dma_start3A_35 = tpu.memref_slice %arg3[%mul3A_31, %dma_start3A_34] : memref<64x256xf32, #tpu.memory_space<hbm>> -> memref<2x256xf32, #tpu.memory_space<hbm>>
      tpu.enqueue_dma source(%arg7 : memref<2x256xf32, #tpu.memory_space<vmem>>) target(%dma_start3A_35 : memref<2x256xf32, #tpu.memory_space<hbm>>) target_semaphore(%run_scoped3A : memref<!tpu.dma_semaphore, #tpu.memory_space<semaphore_mem>>)
      %dma_wait3A_36 = arith.constant 0 : i32
      %dma_wait3A_37 = tpu.memref_slice %arg3[%mul3A_31, %dma_wait3A_36] : memref<64x256xf32, #tpu.memory_space<hbm>> -> memref<2x256xf32, #tpu.memory_space<hbm>>
      %dma_wait3A_38 = arith.constant 0 : i32
      %dma_wait3A_39 = tpu.memref_slice %arg3[%mul3A_31, %dma_wait3A_38] : memref<64x256xf32, #tpu.memory_space<hbm>> -> memref<2x256xf32, #tpu.memory_space<hbm>>
      tpu.wait_dma2 semaphore(%run_scoped3A : memref<!tpu.dma_semaphore, #tpu.memory_space<semaphore_mem>>) src(%arg7 : memref<2x256xf32, #tpu.memory_space<vmem>>) dst(%dma_wait3A_39 : memref<2x256xf32, #tpu.memory_space<hbm>>)
      tpu.yield
    }) : () -> ()
    return
  }
}

</mosaic_0001>

<sc_bundles>
// kernel: kernel.3.cloned.1.call-start
scs
__scs_entry_jumppad:
0x0: {  	(pc) =	sbr.rel $0x88, $3  }
0x1: {  	(tag) =	ssettag $0x0;
	lr =	simm.s32 $0x1  }
0x2: {  	[smem:$0x3F9F] =	sst lr;
	_ =	strace $0xD0000000  }
0x3: {  	_ = 	snop  }
0x4: {  	_ = 	snop  }
0x5: {  	_ = 	snop  }
0x6: {  	_ = 	snop  }
0x7: {  	_ = 	snop  }
__scs_overlays_trampoline_lowered:
0x8: {  	[smem:$0x3FAE] =	sst s0  }
0x9: {  	[smem:$0x3FAF] =	sst s1  }
0xa: {  	[smem:$0x3FB0] =	sst s2  }
0xb: {  	[smem:$0x3FB1] =	sst s3  }
0xc: {  	[smem:$0x3FB2] =	sst s4  }
0xd: {  	[smem:$0x3FB3] =	sst s5  }
0xe: {  	[smem:$0x3FB4] =	sst s6  }
0xf: {  	[smem:$0x3FB5] =	sst s7  }
0x10: {  	[smem:$0x3FB6] =	sst s8  }
0x11: {  	[smem:$0x3FB7] =	sst s9;
	s0 =	simm.s32 @!p0 $0x0  }
0x12: {  	s1 =	sld [smem:$0x3F9D];
	s0 =	simm.s32 @p0 $0x1  }
0x13: {  	[smem:$0x3FB8] =	sst s0;
	s0 =	simm.s32 @!p1 $0x0  }
0x14: {  	s2 =	sld [smem:$0x3F9C];
	s0 =	simm.s32 @p1 $0x1  }
0x15: {  	[smem:$0x3FB9] =	sst s0;
	s0 =	simm.s32 @!p2 $0x0  }
0x16: {  	s3 =	sld [smem:$0x3FDB];
	s0 =	simm.s32 @p2 $0x1  }
0x17: {  	s4 =	simm.s32 $0x1BF5;
	[smem:$0x3FBB] =	sst s0  }
0x18: {  	s0 =	sld [smem:$0x3F9E];
	_ =	swait.ge [sflag:s4], $0x0  }
0x19: {  	s7 =	sld [smem:$0x3F9F]  }
0x1a: {  	s8 =	sadd.s32 $0xFFFFE003, lr  }
0x1b: {  	s9 =	sadd.s32 $0xFFFFFEF7, lr;
	s5 =	simm.s32 $0xFFFFFFFF;
	p2 =	slt.u32 s8, $0xFFFFF086  }
0x1c: {  	p1 =	slt.u32 s9, $0xF7A;
	s5 =	simm.s32 @!p2 $0x0  }
0x1d: {  	s5 =	simm.s32 @p1 $0x1;
	p0 =	seq.s32 s7, s2  }
0x1e: {  	s7 =	smul.u32 @!p0 $0xF7A, s2;
	p2 =	seq.s32 @!p0 s5, $0x0  }
0x1f: {  	s9 =	smul.u32 $0xF7A, s1;
	s8 =	simm.s32 @!p0 $0x1BF5;
	p2 =	por !p2, p0  }
0x20: {  	[sflag:s8] =	ssyncset.s32 @!p0 $0xFFFFF086;
	s6 =	sadd.s32 @!p0 s3, s7;
	s7 =	simm.s32 @!p0 $0x108  }
0x21: {  	s3 =	sadd.s32 s3, s9;
	s6 =	sadd.s32 @!p0 $0x88, s6;
	s7 =	simm.s32 @p2 $0x1082  }
0x22: {  	[simem:s7], [sflag:s8] =	dma.local @!p0 [hbm:s6], $0xF7A  }
0x23: {  	s9 =	sor.u32 $0xD0000000, s2;
	s6 =	simm.s32 $0x108;
	_ =	swait.ge @!p0 [sflag:s8], $0x0  }
0x24: {  	s3 =	sadd.s32 $0x88, s3;
	s6 =	simm.s32 @!p1 $0x1082;
	[sflag:s4] =	ssyncset.s32 $0xFFFFF086  }
0x25: {  	[simem:s6], [sflag:s4] =	dma.local [hbm:s3], $0xF7A  }
0x26: {  	[smem:$0x3F9F] =	sst s1;
	(tag) =	ssettag s2;
	_ =	strace s9  }
0x27: {  	s1 =	sld [smem:$0x3FAF]  }
0x28: {  	s2 =	sld [smem:$0x3FB0]  }
0x29: {  	s4 =	sld [smem:$0x3FB2]  }
0x2a: {  	p0 =	seq.s32 s5, $0x0;
	s5 =	sld [smem:$0x3FB3]  }
0x2b: {  	s6 =	sld [smem:$0x3FB4]  }
0x2c: {  	s7 =	sld [smem:$0x3FB5]  }
0x2d: {  	s3 =	simm.s32 $0x108;
	s8 =	sld [smem:$0x3FB6]  }
0x2e: {  	s3 =	simm.s32 @!p0 $0x1082;
	s9 =	sld [smem:$0x3FB7]  }
0x2f: {  	lr =	sadd.s32 s0, s3;
	s0 =	sld [smem:$0x3FAE]  }
0x30: {  	s3 =	sld [smem:$0x3FB1]  }
0x31: {  	[smem:$0x3FBA] =	sst s10  }
0x32: {  	s10 =	sld [smem:$0x3FB8];
	_ =	sdelay $0x3  }
0x33: {  	p0 =	seq.s32 s10, $0x1;
	s10 =	sld [smem:$0x3FBA];
	_ =	sdelay $0x3  }
0x34: {  	[smem:$0x3FBA] =	sst s10  }
0x35: {  	s10 =	sld [smem:$0x3FB9];
	_ =	sdelay $0x3  }
0x36: {  	p1 =	seq.s32 s10, $0x1;
	s10 =	sld [smem:$0x3FBA];
	_ =	sdelay $0x3  }
0x37: {  	[smem:$0x3FBA] =	sst s10  }
0x38: {  	s10 =	sld [smem:$0x3FBB]  }
0x39: {  	_ = 	snop;
	(pc) =	sbr.ind lr, $3  }
0x3a: {  	_ = 	snop  }
0x3b: {  	_ = 	snop  }
0x3c: {  	p2 =	seq.s32 s10, $0x1;
	s10 =	sld [smem:$0x3FBA]  }
0x3d: {  	_ =	shalt  }
0x3e: {  	_ =	shalt  }
0x3f: {  	_ =	shalt  }
0x40: {  	_ =	shalt  }
0x41: {  	_ =	shalt  }
0x42: {  	_ =	shalt  }
0x43: {  	_ =	shalt  }
0x44: {  	_ =	shalt  }
0x45: {  	_ =	shalt  }
0x46: {  	_ =	shalt  }
0x47: {  	_ =	shalt  }
0x48: {  	_ =	shalt  }
0x49: {  	_ =	shalt  }
0x4a: {  	_ =	shalt  }
0x4b: {  	_ =	shalt  }
0x4c: {  	_ =	shalt  }
0x4d: {  	_ =	shalt  }
0x4e: {  	_ =	shalt  }
0x4f: {  	_ =	shalt  }
0x50: {  	_ =	shalt  }
0x51: {  	_ =	shalt  }
0x52: {  	_ =	shalt  }
0x53: {  	_ =	shalt  }
0x54: {  	_ =	shalt  }
0x55: {  	_ =	shalt  }
0x56: {  	_ =	shalt  }
0x57: {  	_ =	shalt  }
0x58: {  	_ =	shalt  }
0x59: {  	_ =	shalt  }
0x5a: {  	_ =	shalt  }
0x5b: {  	_ =	shalt  }
0x5c: {  	_ =	shalt  }
0x5d: {  	_ =	shalt  }
0x5e: {  	_ =	shalt  }
0x5f: {  	_ =	shalt  }
0x60: {  	_ =	shalt  }
0x61: {  	_ =	shalt  }
0x62: {  	_ =	shalt  }
0x63: {  	_ =	shalt  }
0x64: {  	_ =	shalt  }
0x65: {  	_ =	shalt  }
0x66: {  	_ =	shalt  }
0x67: {  	_ =	shalt  }
0x68: {  	_ =	shalt  }
0x69: {  	_ =	shalt  }
0x6a: {  	_ =	shalt  }
0x6b: {  	_ =	shalt  }
0x6c: {  	_ =	shalt  }
0x6d: {  	_ =	shalt  }
0x6e: {  	_ =	shalt  }
0x6f: {  	_ =	shalt  }
0x70: {  	_ =	shalt  }
0x71: {  	_ =	shalt  }
0x72: {  	_ =	shalt  }
0x73: {  	_ =	shalt  }
0x74: {  	_ =	shalt  }
0x75: {  	_ =	shalt  }
0x76: {  	_ =	shalt  }
0x77: {  	_ =	shalt  }
0x78: {  	_ =	shalt  }
0x79: {  	_ =	shalt  }
0x7a: {  	_ =	shalt  }
0x7b: {  	_ =	shalt  }
0x7c: {  	_ =	shalt  }
0x7d: {  	_ =	shalt  }
0x7e: {  	_ =	shalt  }
0x7f: {  	_ =	shalt  }
0x80: {  	_ =	shalt  }
0x81: {  	_ =	shalt  }
0x82: {  	_ =	shalt  }
0x83: {  	_ =	shalt  }
0x84: {  	_ =	shalt  }
0x85: {  	_ =	shalt  }
0x86: {  	_ =	shalt  }
0x87: {  	_ =	shalt  }
.Lfunc_end0:
.L_simem_size_0:
called_computation_lowered:
.L_overlay_start_0:
0x88: {  	s2 =	sld [smem:$0x3FD9]  }
0x89: {  	s3 =	sld [smem:$0x3FFE];
	_ =	sdelay $0x1  }
0x8a: {  	s1 =	srdreg.scid  }
0x8b: {  	s0 =	sand.u32 $0x1, s1  }
0x8c: {  	s16 =	sshll.u32 s0, $0xA;
	s2 =	sadd.s32 s3, s2  }
0x8d: {  	s2 =	sadd.s32 s2, s16  }
0x8e: {  	[smem:$0x3FC6] =	sst s2  }
0x8f: {  	_ = 	snop  }
0x90: {  	(tm) =	ssettm $0x1  }
0x91: {  	s17 =	sld [smem:$0x3FFB];
	_ =	sdelay $0x3  }
0x92: {  	_ =	strace s17  }
0x93: {  	s2 =	sld [smem:$0x3FFC];
	_ =	sdelay $0x3  }
0x94: {  	_ =	strace s2  }
0x95: {  	s2 =	sld [smem:$0x3FFD];
	_ =	sdelay $0x3  }
0x96: {  	_ =	strace s2  }
0x97: {  	_ =	strace $0x8FFFFFFF  }
0x98: {  	s18 =	sld [smem:$0x3FDB];
	_ =	sdelay $0x1  }
0x99: {  	s19 =	simm.s32 $_scs_section_size  }
0x9a: {  	s4 =	simm.s32 $_size__tile_overlayer_lowered;
	s5 =	simm.s32 $_tile_overlayer_lowered  }
0x9b: {  	s22 =	simm.s32 $0x1BFF;
	s21 =	sshll.u32 s5, $0x1;
	s2 =	sadd.s32 s19, s18  }
0x9c: {  	s6 =	simm.s32 $0x0;
	s20 =	sshll.u32 s4, $0x1;
	s4 =	sadd.s32 s21, s2  }
0x9d: {  	[timem:s6], [sflag:s22] =	dma.local [hbm:s4], s20  }
0x9e: {  	_ =	swait.ge [sflag:s22], s20  }
0x9f: {  	s3 =	ssub.s32 $0x0, s20;
	[sflag:s22] =	ssyncset.done $0x0  }
0xa0: {  	[sflag:s22] =	ssyncadd.s32 s3;
	_ =	sdelay $0x1  }
0xa1: {  	s23 =	simm.s32 $0x1B8B  }
0xa2: {  	_ =	swait.ge [sflag:s23], $0x1  }
0xa3: {  	[sflag:s23] =	ssyncset.done $0x0  }
0xa4: {  	s25 =	simm.s32 $0x1B8E;
	s24 =	sld [smem:$0x3FFE];
	[sflag:s23] =	ssyncadd.s32 $0xFFFFFFFF  }
0xa5: {  	s26 =	simm.s32 $execute0_lowered;
	[smem:$0x3FD2] =	sst s25  }
0xa6: {  	s4 =	sshll.u32 s26, $0x1;
	_ =	strace $0x80000046;
	[dreg:$0x1] =	wrdreg $0xFFFFFFFF  }
0xa7: {  	s28 =	simm.s32 $_size_execute0_lowered;
	s2 =	sadd.s32 s2, s4;
	[dreg:$0x0] =	wrdreg $0x0  }
0xa8: {  	s4 =	sshll.u32 s28, $0x1;
	[dreg:$0x2] =	wrdreg s2  }
0xa9: {  	[dreg:$0x3] =	wrdreg s4  }
0xaa: {  	[dreg:$0x4] =	wrdreg $0xC0  }
0xab: {  	_ =	task [dreg:s6], $0x5FFFF  }
0xac: {  	[dreg:$0x1] =	wrdreg $0xFFFFFFFF  }
0xad: {  	[dreg:$0x0] =	wrdreg $0x60  }
0xae: {  	[dreg:$0x2] =	wrdreg s24  }
0xaf: {  	[dreg:$0x3] =	wrdreg $0x9  }
0xb0: {  	_ =	task.clear_ibuf [dreg:s6], $0x4FFFF;
	_ =	strace $0x90000046  }
0xb1: {  	s29 =	simm.s32 $0x9;
	_ =	strace $0x80000048  }
0xb2: {  	_ =	swait.ge [sflag:s29], $0x1  }
0xb3: {  	[sflag:s29] =	ssyncadd.s32 $0xFFFFFFFF  }
0xb4: {  	_ =	strace $0x90000048  }
0xb5: {  	_ =	sfence  }
0xb6: {  	s30 =	sld [smem:$0x0];
	_ =	sdelay $0x2  }
0xb7: {  	s31 =	sshll.u32 s1, $0xD;
	s1 =	sshrl.u32 s1, $0x2  }
0xb8: {  	s3 =	sand.u32 $0x4000, s31;
	s1 =	sadd.s32 s1, s30  }
0xb9: {  	s0 =	sor.u32 s3, s0;
	s1 =	sshll.u32 s1, $0x11  }
0xba: {  	s0 =	sor.u32 s1, s0  }
0xbb: {  	s0 =	sadd.s32 $0x8F2B, s0  }
0xbc: {  	[sflag:s0] =	ssyncadd.remote.s32 $0x1  }
0xbd: {  	_ =	sfence.sel $0xFFFF  }
0xbe: {  	[dreg:$0x0] =	wrdreg $0xFFFFFFFF;
	(pc) =	sbr.abs _section_cstart, $3  }
0xbf: {  	[dreg:$0x1] =	wrdreg $0xFFFFFFFF  }
0xc0: {  	_ =	task.clear_ibuf [dreg:s6], $0x2FFFF;
	_ =	strace $0x9FFFFFFF  }
0xc1: {  	(tm) =	ssettm $0x7FFFFFFF  }
tec
execute0_lowered:
.L_overlay_start_1:
0x0: {  	(tag) =	ssettag $0x1  }
0x1: {  	s4 =	rddreg [dreg:$0x0]  }
0x2: {  	s0 =	rddreg [dreg:$0x1]  }
0x3: {  	s2 =	simm.s32 $0x0;
	s3 =	srdreg.scid;
	s1 =	stileid.u32  }
0x4: {  	s9 =	simm.s32 $0x80;
	s10 =	simm.s32 $0x2;
	s11 =	simm.s32 $0x480  }
0x5: {  	s12 =	simm.s32 $0x1;
	s13 =	simm.s32 $0x880;
	s14 =	simm.s32 $0x0  }
0x6: {  	[smem:$0x7FF] =	sst s2;
	s5 =	sand.u32 $0x1, s3;
	s28 =	sshll.u32 s1, $0x9  }
0x7: {  	s7 =	sshrl.u32 s1, $0x1;
	s6 =	sshll.u32 s5, $0x8;
	s3 =	sand.u32 $0x200, s28  }
0x8: {  	_ =	strace $0x80000047;
	s8 =	sshll.u32 s7, $0xB;
	s7 =	sshll.u32 s7, $0xC  }
0x9: {  	v0 =	vlaneseq.u32;
	vm0 =	vmmov $0xff;
	s5 =	ssub.s32 $0x2, s5;
	s6 =	sor.u32 s6, s3;
	s3 =	sadd.s32 $0x1400, s4  }
0xa: {  	v8 =	vimm.f32 $0.0e+00;
	vm1 =	vcmask $0x300;
	v1 =	vmul.u32 $0x4, v0;
	s30 =	sshrl.u32 s5, $0x1;
	s8 =	sor.u32 s8, s6;
	s6 =	sor.u32 s7, s6  }
0xb: {  	vm2 =	vcmask $0x704;
	v3 =	vshrl.u32 v0, $0x1;
	v7 =	vmul.u32 $0xFFFFFFFF, v0;
	s31 =	ssub.s32 s5, s30;
	s8 =	sshrl.u32 s8, $0x3;
	s6 =	sshrl.u32 s6, $0x3  }
0xc: {  	v2 =	vand.u32 $0x1, v0;
	v3 =	vmul.u32 $0x8, v3;
	v4 =	vor.u32 $0x1, v1;
	s7 =	simm.s32 $0x100;
	s29 =	sadd.s32 s8, s4;
	s4 =	sadd.s32 s3, s6  }
0xd: {  	v5 =	vor.u32 $0x2, v1;
	v6 =	vor.u32 $0x3, v1;
	v7 =	vadd.s32 $0x64, v7;
	s6 =	smax.u32 s31, $0x1;
	s8 =	simm.s32 $0x400;
	s5 =	sadd.s32 $0x2400, s29  }
.LBB2_1:
0xe: {  	[tilespmem:s9], [sflag:$0x2] =	stream.strided.gather [hbm4b:s4+s7], $0x400, s8, s7, $0x38;
	[tilespmem:$0xA80] =	vst v63  }
0xf: {  	_ =	swait.ge [sflag:s10], $0x400  }
0x10: {  	[sflag:s10] =	ssyncset.done $0x0  }
0x11: {  	[sflag:s10] =	ssyncadd.s32 $0xFFFFFC00  }
0x12: {  	v9 =	vld [tilespmem:$0x3F0]  }
0x13: {  	v10 =	vld [tilespmem:$0x470];
	_ =	sdelay $0x3  }
0x14: {  	(v2sf) =	vpush v9, $0x7  }
0x15: {  	(v2sf) =	vpush v10, $0x7;
	_ =	sdelay $0xd  }
0x16: {  	s15 =	spop (v2sf)  }
0x17: {  	s16 =	spop (v2sf)  }
0x18: {  	s16 =	scvt.f32.s32 s16  }
0x19: {  	s15 =	scvt.f32.s32 s15  }
0x1a: {  	vm3 =	veq.s32 v0, $0x0;
	v9 =	vmov s16  }
0x1b: {  	v9 =	vsel vm3, s15, v9  }
0x1c: {  	[tilespmem:$0x0] =	vst v9  }
0x1d: {  	v9 =	vld.msk [tilespmem:$0x0], $0x3;
	_ =	sdelay $0x4  }
0x1e: {  	v10 =	vshll.u32 v9, $0x2  }
0x1f: {  	v9 =	vand.u32 $0x7, v9;
	v10 =	vand.u32 $0xFFFFFFE0, v10  }
0x20: {  	v9 =	vor.u32 v9, v10  }
0x21: {  	v9 =	vperm.xlane v9, v2;
	_ =	sdelay $0x1  }
0x22: {  	v9 =	vadd.s32 v3, v9;
	_ =	sdelay $0x4  }
0x23: {  	[tilespmem:s11], [sflag:$0x1] =	stream.indirect_vreg.gather [hbm4b:s3+s2], $0x80, v9, vm0, $0xb8;
	[tilespmem:$0xA80] =	vst v63  }
0x24: {  	_ =	swait.ge [sflag:s12], $0x400  }
0x25: {  	[sflag:s12] =	ssyncset.done $0x0  }
0x26: {  	p1 =	por $0x1, $0x1;
	s15 =	simm.s32 $0x0;
	[sflag:s12] =	ssyncadd.s32 $0xFFFFFC00  }
.LBB2_2:
0x27: {  	v9 =	vmov s15;
	s17 =	simm.s32 $0x0  }
0x28: {  	v9 =	vshll.u32 v9, $0x7;
	v14 =	vmov s17  }
0x29: {  	v10 =	vor.u32 s17, v4;
	v12 =	vor.u32 s17, v5;
	v9 =	vand.u32 $0x80, v9  }
0x2a: {  	v13 =	vor.u32 s17, v6;
	v15 =	vshll.u32 v14, $0x1;
	v11 =	vbroadcast v9, $0x0  }
0x2b: {  	v10 =	vand.u32 $0x7D, v10;
	v13 =	vand.u32 $0x7F, v13;
	v12 =	vand.u32 $0x7E, v12  }
0x2c: {  	v9 =	vor.u32 s17, v1;
	v15 =	vand.u32 $0x300, v15;
	v10 =	vor.u32 v10, v11  }
0x2d: {  	v9 =	vand.u32 $0x7C, v9;
	v13 =	vor.u32 v13, v11;
	v16 =	vor.u32 v15, v10  }
0x2e: {  	v9 =	vor.u32 v9, v11;
	v10 =	vor.u32 v12, v11;
	v12 =	vor.u32 v15, v13  }
0x2f: {  	v9 =	vor.u32 v15, v9  }
0x30: {  	s15 =	sshll.u32 s15, $0x7;
	v13 =	vor.u32 v15, v10  }
0x31: {  	v10 =	vld [tilespmem:s15+$0x3F0]  }
0x32: {  	v16 =	vld.idx.msk [tilespmem:v16+s11+$0x0], $0xffff  }
0x33: {  	v17 =	vld.idx.msk [tilespmem:v12+s11+$0x0], $0xffff  }
0x34: {  	v19 =	vld.idx.msk [tilespmem:v9+s11+$0x0], $0xffff  }
0x35: {  	s16 =	simm.s32 $0x40;
	v18 =	vld.idx.msk [tilespmem:v13+s11+$0x0], $0xffff  }
0x36: {  	v20 =	vmov s16;
	v21 =	vor.u32 s16, v4  }
0x37: {  	s19 =	simm.s32 $0x320;
	s18 =	sadd.s32 $0x880, s15;
	v22 =	vor.u32 s16, v6;
	s31 =	sand.u32 $0x3FFFFF80, s15;
	vm3 =	vlt.u32 v14, v7;
	v14 =	vor.u32 s16, v1  }
0x38: {  	s19 =	sand.u32 $0x3FFFFF00, s19;
	v20 =	vshll.u32 v20, $0x1;
	v22 =	vand.u32 $0x7F, v22;
	v9 =	vmov s18;
	s18 =	sadd.s32 $0x490, s31  }
0x39: {  	v15 =	vand.u32 $0x7C, v14;
	v14 =	vor.u32 s16, v5;
	v13 =	vbroadcast v10, $0x4;
	s20 =	sadd.s32 s19, s18  }
0x3a: {  	v17 =	vsub.f32 v17, v16;
	v19 =	vsub.f32 v18, v19;
	v18 =	vand.u32 $0x300, v20;
	v20 =	vld [tilespmem:s20+$0x0]  }
0x3b: {  	v21 =	vand.u32 $0x7D, v21;
	v22 =	vor.u32 v22, v11;
	v14 =	vand.u32 $0x7E, v14  }
0x3c: {  	v12 =	vimm.f32 $0.0e+00;
	v17 =	vmul.f32 v17, v13;
	v16 =	vmul.f32 v19, v13  }
0x3d: {  	p0 =	por p1, p1;
	v19 =	vor.u32 v21, v11;
	v21 =	vor.u32 v14, v11;
	v14 =	vimm.f32 $0.0e+00  }
0x3e: {  	s21 =	simm.s32 $0x360;
	s19 =	simm.s32 $0x340;
	s20 =	simm.s32 $0x0;
	v19 =	vor.u32 v18, v19;
	vm4 =	vle.f32 v17, $5.120000000e+02;
	vm5 =	vle.f32 v16, $5.120000000e+02  }
.LBB2_3:
0x3f: {  	p1 =	sne.s32 s21, $0x3E0;
	v22 =	vor.u32 v18, v22;
	vm4 =	vmand vm5, vm4;
	vm5 =	vgt.f32 v20, $5.000000000e-01  }
0x40: {  	v15 =	vor.u32 v15, v11;
	v20 =	vor.u32 v18, v21;
	vm4 =	vmand vm5, vm4  }
0x41: {  	s22 =	sshra.s32 s17, $0x2;
	v16 =	vnsel vm3, $0x0, v16;
	s17 =	smov.u32 s16;
	v15 =	vor.u32 v18, v15;
	v18 =	vsel vm4, $0x3F800000, v8  }
0x42: {  	v12 =	vmax.f32 v12, v16;
	v16 =	vnsel vm3, $0x0, v17;
	[tilespmem:v9+s22+$0x0 ss:$0x1] =	vst.idx.msk $0xffff, v18  }
0x43: {  	v14 =	vmax.f32 v14, v16;
	v17 =	vld.idx.msk [tilespmem:v19+s11+$0x0], $0xffff  }
0x44: {  	v16 =	vld.idx.msk [tilespmem:v22+s11+$0x0], $0xffff  }
0x45: {  	v18 =	vld.idx.msk [tilespmem:v20+s11+$0x0], $0xffff  }
0x46: {  	v19 =	vld.idx.msk [tilespmem:v15+s11+$0x0], $0xffff  }
0x47: {  	s20 =	sadd.s32 $0x10, s20  }
0x48: {  	v15 =	vmov s20  }
0x49: {  	s16 =	sadd.s32 $0x40, s16;
	vm3 =	vlt.u32 v15, v7  }
0x4a: {  	s18 =	sadd.s32 $0x10, s18;
	v21 =	vor.u32 s16, v4;
	s22 =	sand.u32 $0x3FFFFF00, s19;
	s19 =	smov.u32 s21;
	v20 =	vmov s16;
	v15 =	vor.u32 s16, v1  }
0x4b: {  	v23 =	vor.u32 s16, v6;
	s22 =	sadd.s32 s22, s18;
	v22 =	vor.u32 s16, v5;
	v15 =	vand.u32 $0x7C, v15  }
.Ltmp0:
0x4c: {  	v24 =	vshll.u32 v20, $0x1;
	v17 =	vsub.f32 v16, v17;
	v19 =	vsub.f32 v18, v19;
	v20 =	vld [tilespmem:s22+$0x0];
	(pc) =	sbr.rel @p1 .LBB2_3-.Ltmp0, $4  }
0x4d: {  	v21 =	vand.u32 $0x7D, v21;
	v23 =	vand.u32 $0x7F, v23;
	v22 =	vand.u32 $0x7E, v22  }
0x4e: {  	v18 =	vand.u32 $0x300, v24;
	v17 =	vmul.f32 v17, v13;
	v16 =	vmul.f32 v19, v13  }
0x4f: {  	v19 =	vor.u32 v21, v11;
	v21 =	vor.u32 v22, v11;
	v22 =	vor.u32 v23, v11  }
0x50: {  	s21 =	sadd.s32 $0x20, s21;
	vm4 =	vle.f32 v17, $5.120000000e+02;
	v19 =	vor.u32 v18, v19;
	vm5 =	vle.f32 v16, $5.120000000e+02  }
0x51: {  	_ = 	snop  }
0x52: {  	v22 =	vor.u32 v18, v22;
	vm4 =	vmand vm5, vm4;
	vm12 =	vgt.f32 v20, $5.000000000e-01  }
0x53: {  	v11 =	vor.u32 v15, v11;
	v56 =	vor.u32 v18, v21;
	vm4 =	vmand vm12, vm4  }
0x54: {  	s17 =	sshra.s32 s17, $0x2;
	v11 =	vor.u32 v18, v11;
	v57 =	vsel vm4, $0x3F800000, v8  }
0x55: {  	[tilespmem:v9+s17+$0x0 ss:$0x1] =	vst.idx.msk $0xffff, v57  }
0x56: {  	v18 =	vld.idx.msk [tilespmem:v19+s11+$0x0], $0xffff  }
0x57: {  	v58 =	vld.idx.msk [tilespmem:v22+s11+$0x0], $0xffff  }
0x58: {  	v15 =	vld.idx.msk [tilespmem:v56+s11+$0x0], $0xffff  }
0x59: {  	v11 =	vld.idx.msk [tilespmem:v11+s11+$0x0], $0xffff;
	_ =	sdelay $0x3  }
0x5a: {  	v18 =	vsub.f32 v58, v18  }
0x5b: {  	s25 =	sadd.s32 $0x10, s20;
	v11 =	vsub.f32 v15, v11  }
0x5c: {  	v59 =	vmov s25;
	v18 =	vmul.f32 v18, v13  }
0x5d: {  	v17 =	vnsel vm3, $0x0, v17;
	vm13 =	vlt.u32 v59, v7;
	v11 =	vmul.f32 v11, v13  }
0x5e: {  	v60 =	vnsel vm3, $0x0, v16;
	v14 =	vmax.f32 v14, v17;
	v15 =	vnsel vm13, $0x0, v18  }
0x5f: {  	v12 =	vmax.f32 v12, v60;
	v61 =	vnsel vm13, $0x0, v11;
	v14 =	vmax.f32 v14, v15  }
0x60: {  	v12 =	vmax.f32 v12, v61;
	(xrf0) =	vmax.scan.msk.f32 $0xffff, v14  }
0x61: {  	(xrf0) =	vmax.scan.msk.f32 $0xffff, v12;
	_ =	sdelay $0x4  }
0x62: {  	v62, _, _ =	vpop (xrf0)  }
0x63: {  	(v2sf) =	vpush v62, $0xF;
	v63, _, _ =	vpop (xrf0)  }
0x64: {  	(v2sf) =	vpush v63, $0xF  }
0x65: {  	(v2sf) =	vpush v10, $0x5;
	_ =	sdelay $0x1  }
0x66: {  	(v2sf) =	vpush v10, $0x6;
	_ =	sdelay $0x8  }
0x67: {  	s26 =	sand.u32 $0x3FFFFF00, s19;
	s18 =	sadd.s32 $0x10, s18  }
0x68: {  	s17 =	sadd.s32 s26, s18  }
0x69: {  	v10 =	vld [tilespmem:s17+$0x0];
	s28 =	spop (v2sf)  }
0x6a: {  	s29 =	spop (v2sf);
	s18 =	ssub.f32 $5.120000000e+02, s28  }
0x6b: {  	s30 =	spop (v2sf)  }
0x6c: {  	s17 =	ssub.f32 $5.120000000e+02, s29;
	s18 =	smax.f32 s18, $0.0e+00  }
0x6d: {  	vm3 =	vle.f32 v18, $5.120000000e+02;
	vm14 =	vle.f32 v11, $5.120000000e+02;
	s31 =	spop (v2sf);
	s18 =	smul.f32 s18, s30  }
.Ltmp1:
0x6e: {  	vm3 =	vmand vm14, vm3;
	vm15 =	vgt.f32 v10, $5.000000000e-01;
	s17 =	smax.f32 s17, $0.0e+00;
	(pc) =	sbr.rel @p0 .LBB2_2-.Ltmp1, $4  }
0x6f: {  	vm3 =	vmand vm15, vm3;
	s17 =	smul.f32 s17, s31;
	v10 =	vmov s18  }
0x70: {  	s16 =	sshra.s32 s16, $0x2;
	v11 =	vsel vm3, $0x3F800000, v8;
	v10 =	vnsel vm1, $0x0, v10  }
0x71: {  	[tilespmem:v9+s16+$0x0 ss:$0x1] =	vst.idx.msk $0xffff, v11;
	v9 =	vsel vm2, s17, v10  }
0x72: {  	p1 =	por $0x0, $0x0;
	[tilespmem:s15+$0x980] =	vst v9;
	s15 =	simm.s32 $0x1  }
0x73: {  	s14 =	sadd.s32 $0x1, s14  }
0x74: {  	p0 =	sne.s32 s14, s6  }
.Ltmp2:
0x75: {  	_ = 	snop;
	(pc) =	sbr.rel @p0 .LBB2_1-.Ltmp2, $4  }
0x76: {  	[hbm4b:s5+s7] =	stream.strided.scatter [tilespmem:s13], [sflag:$0x2], $0x200, s8, s7, $0x38;
	[tilespmem:$0xA80] =	vst v63  }
0x77: {  	_ =	swait.ge [sflag:s10], $0x200  }
0x78: {  	[sflag:s10] =	ssyncset.done $0x0  }
0x79: {  	[sflag:s10] =	ssyncadd.s32 $0xFFFFFE00  }
0x7a: {  	_ =	sfence.sel $0x180000  }
0x7b: {  	[bflag:$0x0] =	sbarrier.arrive $0xFFFF  }
0x7c: {  	p0 =	sne.s32 s1, $0x0;
	_ =	strace $0x90000047  }
0x7d: {  	s0 =	sadd.s32 @!p0 $0x100000, s0;
	[bflag:$0x2] =	sbarrier.arrive $0xFFFF  }
0x7e: {  	[sflag:s0] =	ssyncadd.tile.s32 @!p0 $0x1;
	_ =	shalt  }
.Lfunc_end2:
_tile_overlayer_lowered:
.L_overlay_start_2:
0x7f: {  	(tag) =	ssettag $0x2  }
0x80: {  	s0 =	rddreg [dreg:$0x0];
	s2 =	stileid.u32  }
0x81: {  	s1 =	rddreg [dreg:$0x1];
	p0 =	sne.s32 s2, $0x0  }
0x82: {  	s3 =	rddreg [dreg:$0x2];
	[bflag:$0x3] =	sbarrier.arrive $0xFFFF;
	s2 =	simm.s32 @!p0 $0x1C02  }
0x83: {  	[timem:s3], [sflag:s2] =	dma.local @!p0 [hbm:s0], s1  }
0x84: {  	s0 =	simm.s32 @!p0 $0x2  }
0x85: {  	_ =	swait.ge @!p0 [sflag:s0], s1  }
0x86: {  	s1 =	ssub.s32 @!p0 $0x0, s1;
	[sflag:s0] =	ssyncset.done @!p0 $0x0  }
0x87: {  	[sflag:s0] =	ssyncadd.s32 @!p0 s1  }
0x88: {  	[bflag:$0x3] =	sbarrier.arrive $0xFFFF  }
0x89: {  	_ =	shalt  }

</sc_bundles>
